<compile_context>
chip_gen: v7x
topology: tpu7x:2x2x1
jax: 0.10.2.dev20260603
libtpu: 0.0.44.dev20260713+nightly
codegen_flags: <defaults>
</compile_context>

<pallas_src>
import functools

import jax
import jax.numpy as jnp
from jax import lax
from jax.experimental import pallas as pl
from jax.experimental.pallas import tpu as pltpu
from jax.experimental.pallas import tpu_sc as plsc


def _partials_body(starts_ref, ends_ref, x_ref, w1_ref, b1_ref, w2_ref,
                   b2_ref, p_ref):
    i = pl.program_id(0)
    x = x_ref[...]
    h = jnp.tanh(jnp.dot(x.astype(jnp.bfloat16),
                         w1_ref[...].astype(jnp.bfloat16),
                         preferred_element_type=jnp.float32) + b1_ref[...])
    sc = lax.dot_general(w2_ref[...], h, (((0,), (1,)), ((), ())),
                         preferred_element_type=jnp.float32) + b2_ref[0, 0]
    ecol = jnp.exp(sc)

    r = x.shape[0]
    b = starts_ref.shape[0]
    ridx = i * r + lax.broadcasted_iota(jnp.int32, (b, r), 1)
    mask = (ridx >= starts_ref[...]) & (ridx < ends_ref[...])
    e = jnp.where(mask, ecol, 0.0)
    zt = jnp.sum(e, axis=1, keepdims=True)
    vt = lax.dot_general(e, x, (((1,), (0,)), ((), ())),
                         preferred_element_type=jnp.float32)

    zb = jnp.broadcast_to(zt, zt.shape[:1] + (x.shape[1],))
    packed = jnp.concatenate([vt, zb], axis=1)
    p_ref[...] = packed.reshape(p_ref.shape)


def _make_merge(nt, b, h):
    info = plsc.get_sparse_core_info()
    nc = info.num_cores

    mesh = plsc.VectorSubcoreMesh(core_axis_name="c", subcore_axis_name="s")

    @functools.partial(
        pl.kernel, mesh=mesh,
        out_type=jax.ShapeDtypeStruct((b, h), jnp.float32),
        scratch_types=[
            pltpu.VMEM((nt, 2 * h), jnp.float32),
            pltpu.VMEM((h,), jnp.float32),
            pltpu.SemaphoreType.DMA,
        ],
    )
    def merge(p_hbm, out_hbm, prow_v, out_v, sem):
        wid = lax.axis_index("s") * nc + lax.axis_index("c")

        @pl.when(wid < b)
        def _():
            seg = wid
            handles = [pltpu.async_copy(p_hbm.at[t, seg], prow_v.at[t], sem)
                       for t in range(nt)]
            for hd in handles:
                hd.wait()

            z_all = prow_v[0, pl.ds(h, 16)]
            for t in range(1, nt):
                z_all = z_all + prow_v[t, pl.ds(h, 16)]
            zinv = jnp.where(z_all > 0, 1.0 / z_all, 0.0)

            for d in range(h // 16):
                acc = prow_v[0, pl.ds(d * 16, 16)]
                for t in range(1, nt):
                    acc = acc + prow_v[t, pl.ds(d * 16, 16)]
                out_v[pl.ds(d * 16, 16)] = acc * zinv
            pltpu.sync_copy(out_v, out_hbm.at[seg])

    return merge


def kernel(g, node_features, offsets, W1, b1, W2, b2):
    n, h = node_features.shape
    b = offsets.shape[0]
    off = offsets.astype(jnp.int32)
    starts = jnp.concatenate([off[:1], off[:-1]]).reshape(b, 1)
    ends = jnp.concatenate([off[1:], jnp.full((1,), n, jnp.int32)]).reshape(b, 1)

    tile_r = 8192
    nt = n // tile_r

    p_p = pl.pallas_call(
        _partials_body,
        grid=(nt,),
        in_specs=[
            pl.BlockSpec((b, 1), lambda i: (0, 0)),
            pl.BlockSpec((b, 1), lambda i: (0, 0)),
            pl.BlockSpec((tile_r, h), lambda i: (i, 0)),
            pl.BlockSpec((h, h), lambda i: (0, 0)),
            pl.BlockSpec((1, h), lambda i: (0, 0)),
            pl.BlockSpec((h, 1), lambda i: (0, 0)),
            pl.BlockSpec((1, 1), lambda i: (0, 0)),
        ],
        out_specs=pl.BlockSpec((1, b, 2 * h), lambda i: (i, 0, 0)),
        out_shape=jax.ShapeDtypeStruct((nt, b, 2 * h), jnp.float32),
    )(starts, ends, node_features, W1, b1.reshape(1, h), W2,
      b2.reshape(1, 1))

    merge = _make_merge(nt, b, h)
    return merge(p_p)

# --- scband reference (transcript-rebuilt; emitter-appended) ---
"""Pipeline reference for scband-multi-node-aggregation-29841432773230 (READ-ONLY COPY).

The authoritative reference and input builder live on the scoring server;
editing this copy changes nothing except your own understanding.
"""

import jax, jax.numpy as jnp
import numpy as np

N_TOK, H, B = 32768, 128, 16

def setup_inputs(seed: int = 0) -> dict:
    key = jax.random.key(seed)
    k1, k2, k3, k4 = jax.random.split(key, 4)
    node_features = jax.random.normal(k1, (N_TOK, H), dtype=jnp.float32)
    offsets = jnp.sort(jax.random.randint(k2, (B,), 0, N_TOK))
    # learned params of nn.Sequential(Linear(H,H), Tanh, Linear(H,1))
    W1 = jax.random.normal(k3, (H, H), dtype=jnp.float32) * 0.05
    b1 = jnp.zeros((H,), dtype=jnp.float32)
    W2 = jax.random.normal(k4, (H, 1), dtype=jnp.float32) * 0.05
    b2 = jnp.zeros((1,), dtype=jnp.float32)
    g = jnp.zeros((1,), dtype=jnp.int32)  # DGL graph placeholder; unused by forward
    return {"g": g, "node_features": node_features, "offsets": offsets,
            "W1": W1, "b1": b1, "W2": W2, "b2": b2}

def reference(g, node_features, offsets, W1, b1, W2, b2):
    N = node_features.shape[0]
    bs = offsets.shape[0]
    idx = jnp.arange(N)
    attn_scores_all = jnp.tanh(node_features @ W1 + b1) @ W2 + b2  # (N, 1)
    starts = jnp.concatenate([offsets[:1], offsets[:-1]])
    ends = jnp.concatenate([offsets[1:], jnp.full((1,), N, dtype=offsets.dtype)])
    outs = []
    for i in range(bs):
        mask = ((idx >= starts[i]) & (idx < ends[i]))[:, None]  # (N, 1)
        masked_scores = jnp.where(mask, attn_scores_all, -jnp.inf)
        mx = jnp.max(masked_scores, axis=0, keepdims=True)
        e = jnp.where(mask, jnp.exp(attn_scores_all - mx), 0.0)
        denom = jnp.sum(e, axis=0, keepdims=True)
        attn_weights = jnp.where(mask, e / denom, 0.0)
        agg = jnp.sum(node_features * attn_weights, axis=0)
        outs.append(agg)
    return jnp.stack(outs, axis=0)

if __name__ == "__main__":
    import jax
    _d = setup_inputs()
    print(jax.jit(kernel)(*tuple(_d.values())))

</pallas_src>

<mosaic_0001>
#map = affine_map<(d0, d1) -> (0, 0, 0)>
#map1 = affine_map<(d0, d1) -> (0, 0)>
module attributes {stable_mosaic.version = 14 : i64} {
  func.func @merge(%arg0: i32, %arg1: i32, %arg2: memref<4x16x256xf32, #tpu.memory_space<hbm>>, %arg3: memref<16x128xf32, #tpu.memory_space<hbm>>, %arg4: memref<4x256xf32, #tpu.memory_space<vmem>>, %arg5: memref<128xf32, #tpu.memory_space<vmem>>, %arg6: memref<!tpu.dma_semaphore, #tpu.memory_space<semaphore_mem>>) attributes {dimension_semantics = [#tpu.dimension_semantics<core_parallel>, #tpu.dimension_semantics<subcore_parallel>], iteration_bounds = array<i64: 2, 16>, scalar_prefetch = 0 : i64, scratch_operands = 3 : i64, tpu.core_type = #tpu.core_type<sc_vector_subcore>, window_params = [{transform_indices = #map}, {transform_indices = #map1}]} {
    %mul3A = arith.constant 2 : i32
    %mul3A_0 = arith.muli %arg1, %mul3A : i32
    %add3A = arith.addi %mul3A_0, %arg0 : i32
    %lt3A = arith.constant 16 : i32
    %lt3A_1 = arith.cmpi slt, %add3A, %lt3A : i32
    %convert_element_type3A = arith.extui %lt3A_1 : i1 to i32
    %cond3A = arith.constant 0 : i32
    %cond3A_2 = arith.cmpi ne, %convert_element_type3A, %cond3A : i32
    scf.if %cond3A_2 {
      %dma_start3A = arith.constant 0 : i32
      %dma_start3A_3 = arith.constant 0 : i32
      %dma_start3A_4 = arith.constant 0 : i32
      %dma_start3A_5 = tpu.memref_slice %arg4[%dma_start3A_3, %dma_start3A_4] : memref<4x256xf32, #tpu.memory_space<vmem>> -> memref<1x256xf32, #tpu.memory_space<vmem>>
      %dma_start3A_6 = tpu.memref_squeeze %dma_start3A_5 : memref<1x256xf32, #tpu.memory_space<vmem>> -> memref<256xf32, #tpu.memory_space<vmem>>
      %dma_start3A_7 = arith.constant 0 : i32
      %dma_start3A_8 = tpu.memref_slice %arg2[%dma_start3A, %add3A, %dma_start3A_7] : memref<4x16x256xf32, #tpu.memory_space<hbm>> -> memref<1x1x256xf32, #tpu.memory_space<hbm>>
      %dma_start3A_9 = tpu.memref_squeeze %dma_start3A_8 : memref<1x1x256xf32, #tpu.memory_space<hbm>> -> memref<256xf32, #tpu.memory_space<hbm>>
      %dma_start3A_10 = arith.constant 0 : i32
      %dma_start3A_11 = tpu.memref_slice %arg4[%dma_start3A_3, %dma_start3A_10] : memref<4x256xf32, #tpu.memory_space<vmem>> -> memref<1x256xf32, #tpu.memory_space<vmem>>
      %dma_start3A_12 = tpu.memref_squeeze %dma_start3A_11 : memref<1x256xf32, #tpu.memory_space<vmem>> -> memref<256xf32, #tpu.memory_space<vmem>>
      %dma_start3A_13 = arith.constant 0 : i32
      %dma_start3A_14 = tpu.memref_slice %arg2[%dma_start3A, %add3A, %dma_start3A_13] : memref<4x16x256xf32, #tpu.memory_space<hbm>> -> memref<1x1x256xf32, #tpu.memory_space<hbm>>
      %dma_start3A_15 = tpu.memref_squeeze %dma_start3A_14 : memref<1x1x256xf32, #tpu.memory_space<hbm>> -> memref<256xf32, #tpu.memory_space<hbm>>
      tpu.enqueue_dma source(%dma_start3A_15 : memref<256xf32, #tpu.memory_space<hbm>>) target(%dma_start3A_12 : memref<256xf32, #tpu.memory_space<vmem>>) target_semaphore(%arg6 : memref<!tpu.dma_semaphore, #tpu.memory_space<semaphore_mem>>)
      %dma_start3A_16 = arith.constant 1 : i32
      %dma_start3A_17 = arith.constant 1 : i32
      %dma_start3A_18 = arith.constant 0 : i32
      %dma_start3A_19 = tpu.memref_slice %arg4[%dma_start3A_17, %dma_start3A_18] : memref<4x256xf32, #tpu.memory_space<vmem>> -> memref<1x256xf32, #tpu.memory_space<vmem>>
      %dma_start3A_20 = tpu.memref_squeeze %dma_start3A_19 : memref<1x256xf32, #tpu.memory_space<vmem>> -> memref<256xf32, #tpu.memory_space<vmem>>
      %dma_start3A_21 = arith.constant 0 : i32
      %dma_start3A_22 = tpu.memref_slice %arg2[%dma_start3A_16, %add3A, %dma_start3A_21] : memref<4x16x256xf32, #tpu.memory_space<hbm>> -> memref<1x1x256xf32, #tpu.memory_space<hbm>>
      %dma_start3A_23 = tpu.memref_squeeze %dma_start3A_22 : memref<1x1x256xf32, #tpu.memory_space<hbm>> -> memref<256xf32, #tpu.memory_space<hbm>>
      %dma_start3A_24 = arith.constant 0 : i32
      %dma_start3A_25 = tpu.memref_slice %arg4[%dma_start3A_17, %dma_start3A_24] : memref<4x256xf32, #tpu.memory_space<vmem>> -> memref<1x256xf32, #tpu.memory_space<vmem>>
      %dma_start3A_26 = tpu.memref_squeeze %dma_start3A_25 : memref<1x256xf32, #tpu.memory_space<vmem>> -> memref<256xf32, #tpu.memory_space<vmem>>
      %dma_start3A_27 = arith.constant 0 : i32
      %dma_start3A_28 = tpu.memref_slice %arg2[%dma_start3A_16, %add3A, %dma_start3A_27] : memref<4x16x256xf32, #tpu.memory_space<hbm>> -> memref<1x1x256xf32, #tpu.memory_space<hbm>>
      %dma_start3A_29 = tpu.memref_squeeze %dma_start3A_28 : memref<1x1x256xf32, #tpu.memory_space<hbm>> -> memref<256xf32, #tpu.memory_space<hbm>>
      tpu.enqueue_dma source(%dma_start3A_29 : memref<256xf32, #tpu.memory_space<hbm>>) target(%dma_start3A_26 : memref<256xf32, #tpu.memory_space<vmem>>) target_semaphore(%arg6 : memref<!tpu.dma_semaphore, #tpu.memory_space<semaphore_mem>>)
      %dma_start3A_30 = arith.constant 2 : i32
      %dma_start3A_31 = arith.constant 2 : i32
      %dma_start3A_32 = arith.constant 0 : i32
      %dma_start3A_33 = tpu.memref_slice %arg4[%dma_start3A_31, %dma_start3A_32] : memref<4x256xf32, #tpu.memory_space<vmem>> -> memref<1x256xf32, #tpu.memory_space<vmem>>
      %dma_start3A_34 = tpu.memref_squeeze %dma_start3A_33 : memref<1x256xf32, #tpu.memory_space<vmem>> -> memref<256xf32, #tpu.memory_space<vmem>>
      %dma_start3A_35 = arith.constant 0 : i32
      %dma_start3A_36 = tpu.memref_slice %arg2[%dma_start3A_30, %add3A, %dma_start3A_35] : memref<4x16x256xf32, #tpu.memory_space<hbm>> -> memref<1x1x256xf32, #tpu.memory_space<hbm>>
      %dma_start3A_37 = tpu.memref_squeeze %dma_start3A_36 : memref<1x1x256xf32, #tpu.memory_space<hbm>> -> memref<256xf32, #tpu.memory_space<hbm>>
      %dma_start3A_38 = arith.constant 0 : i32
      %dma_start3A_39 = tpu.memref_slice %arg4[%dma_start3A_31, %dma_start3A_38] : memref<4x256xf32, #tpu.memory_space<vmem>> -> memref<1x256xf32, #tpu.memory_space<vmem>>
      %dma_start3A_40 = tpu.memref_squeeze %dma_start3A_39 : memref<1x256xf32, #tpu.memory_space<vmem>> -> memref<256xf32, #tpu.memory_space<vmem>>
      %dma_start3A_41 = arith.constant 0 : i32
      %dma_start3A_42 = tpu.memref_slice %arg2[%dma_start3A_30, %add3A, %dma_start3A_41] : memref<4x16x256xf32, #tpu.memory_space<hbm>> -> memref<1x1x256xf32, #tpu.memory_space<hbm>>
      %dma_start3A_43 = tpu.memref_squeeze %dma_start3A_42 : memref<1x1x256xf32, #tpu.memory_space<hbm>> -> memref<256xf32, #tpu.memory_space<hbm>>
      tpu.enqueue_dma source(%dma_start3A_43 : memref<256xf32, #tpu.memory_space<hbm>>) target(%dma_start3A_40 : memref<256xf32, #tpu.memory_space<vmem>>) target_semaphore(%arg6 : memref<!tpu.dma_semaphore, #tpu.memory_space<semaphore_mem>>)
      %dma_start3A_44 = arith.constant 3 : i32
      %dma_start3A_45 = arith.constant 3 : i32
      %dma_start3A_46 = arith.constant 0 : i32
      %dma_start3A_47 = tpu.memref_slice %arg4[%dma_start3A_45, %dma_start3A_46] : memref<4x256xf32, #tpu.memory_space<vmem>> -> memref<1x256xf32, #tpu.memory_space<vmem>>
      %dma_start3A_48 = tpu.memref_squeeze %dma_start3A_47 : memref<1x256xf32, #tpu.memory_space<vmem>> -> memref<256xf32, #tpu.memory_space<vmem>>
      %dma_start3A_49 = arith.constant 0 : i32
      %dma_start3A_50 = tpu.memref_slice %arg2[%dma_start3A_44, %add3A, %dma_start3A_49] : memref<4x16x256xf32, #tpu.memory_space<hbm>> -> memref<1x1x256xf32, #tpu.memory_space<hbm>>
      %dma_start3A_51 = tpu.memref_squeeze %dma_start3A_50 : memref<1x1x256xf32, #tpu.memory_space<hbm>> -> memref<256xf32, #tpu.memory_space<hbm>>
      %dma_start3A_52 = arith.constant 0 : i32
      %dma_start3A_53 = tpu.memref_slice %arg4[%dma_start3A_45, %dma_start3A_52] : memref<4x256xf32, #tpu.memory_space<vmem>> -> memref<1x256xf32, #tpu.memory_space<vmem>>
      %dma_start3A_54 = tpu.memref_squeeze %dma_start3A_53 : memref<1x256xf32, #tpu.memory_space<vmem>> -> memref<256xf32, #tpu.memory_space<vmem>>
      %dma_start3A_55 = arith.constant 0 : i32
      %dma_start3A_56 = tpu.memref_slice %arg2[%dma_start3A_44, %add3A, %dma_start3A_55] : memref<4x16x256xf32, #tpu.memory_space<hbm>> -> memref<1x1x256xf32, #tpu.memory_space<hbm>>
      %dma_start3A_57 = tpu.memref_squeeze %dma_start3A_56 : memref<1x1x256xf32, #tpu.memory_space<hbm>> -> memref<256xf32, #tpu.memory_space<hbm>>
      tpu.enqueue_dma source(%dma_start3A_57 : memref<256xf32, #tpu.memory_space<hbm>>) target(%dma_start3A_54 : memref<256xf32, #tpu.memory_space<vmem>>) target_semaphore(%arg6 : memref<!tpu.dma_semaphore, #tpu.memory_space<semaphore_mem>>)
      %dma_wait3A = arith.constant 0 : i32
      %dma_wait3A_58 = arith.constant 0 : i32
      %dma_wait3A_59 = arith.constant 0 : i32
      %dma_wait3A_60 = tpu.memref_slice %arg4[%dma_wait3A_58, %dma_wait3A_59] : memref<4x256xf32, #tpu.memory_space<vmem>> -> memref<1x256xf32, #tpu.memory_space<vmem>>
      %dma_wait3A_61 = tpu.memref_squeeze %dma_wait3A_60 : memref<1x256xf32, #tpu.memory_space<vmem>> -> memref<256xf32, #tpu.memory_space<vmem>>
      %dma_wait3A_62 = arith.constant 0 : i32
      %dma_wait3A_63 = tpu.memref_slice %arg2[%dma_wait3A, %add3A, %dma_wait3A_62] : memref<4x16x256xf32, #tpu.memory_space<hbm>> -> memref<1x1x256xf32, #tpu.memory_space<hbm>>
      %dma_wait3A_64 = tpu.memref_squeeze %dma_wait3A_63 : memref<1x1x256xf32, #tpu.memory_space<hbm>> -> memref<256xf32, #tpu.memory_space<hbm>>
      %dma_wait3A_65 = arith.constant 0 : i32
      %dma_wait3A_66 = tpu.memref_slice %arg4[%dma_wait3A_58, %dma_wait3A_65] : memref<4x256xf32, #tpu.memory_space<vmem>> -> memref<1x256xf32, #tpu.memory_space<vmem>>
      %dma_wait3A_67 = tpu.memref_squeeze %dma_wait3A_66 : memref<1x256xf32, #tpu.memory_space<vmem>> -> memref<256xf32, #tpu.memory_space<vmem>>
      %dma_wait3A_68 = arith.constant 0 : i32
      %dma_wait3A_69 = tpu.memref_slice %arg2[%dma_wait3A, %add3A, %dma_wait3A_68] : memref<4x16x256xf32, #tpu.memory_space<hbm>> -> memref<1x1x256xf32, #tpu.memory_space<hbm>>
      %dma_wait3A_70 = tpu.memref_squeeze %dma_wait3A_69 : memref<1x1x256xf32, #tpu.memory_space<hbm>> -> memref<256xf32, #tpu.memory_space<hbm>>
      tpu.wait_dma2 semaphore(%arg6 : memref<!tpu.dma_semaphore, #tpu.memory_space<semaphore_mem>>) src(%dma_wait3A_70 : memref<256xf32, #tpu.memory_space<hbm>>) dst(%dma_wait3A_67 : memref<256xf32, #tpu.memory_space<vmem>>)
      %dma_wait3A_71 = arith.constant 1 : i32
      %dma_wait3A_72 = arith.constant 1 : i32
      %dma_wait3A_73 = arith.constant 0 : i32
      %dma_wait3A_74 = tpu.memref_slice %arg4[%dma_wait3A_72, %dma_wait3A_73] : memref<4x256xf32, #tpu.memory_space<vmem>> -> memref<1x256xf32, #tpu.memory_space<vmem>>
      %dma_wait3A_75 = tpu.memref_squeeze %dma_wait3A_74 : memref<1x256xf32, #tpu.memory_space<vmem>> -> memref<256xf32, #tpu.memory_space<vmem>>
      %dma_wait3A_76 = arith.constant 0 : i32
      %dma_wait3A_77 = tpu.memref_slice %arg2[%dma_wait3A_71, %add3A, %dma_wait3A_76] : memref<4x16x256xf32, #tpu.memory_space<hbm>> -> memref<1x1x256xf32, #tpu.memory_space<hbm>>
      %dma_wait3A_78 = tpu.memref_squeeze %dma_wait3A_77 : memref<1x1x256xf32, #tpu.memory_space<hbm>> -> memref<256xf32, #tpu.memory_space<hbm>>
      %dma_wait3A_79 = arith.constant 0 : i32
      %dma_wait3A_80 = tpu.memref_slice %arg4[%dma_wait3A_72, %dma_wait3A_79] : memref<4x256xf32, #tpu.memory_space<vmem>> -> memref<1x256xf32, #tpu.memory_space<vmem>>
      %dma_wait3A_81 = tpu.memref_squeeze %dma_wait3A_80 : memref<1x256xf32, #tpu.memory_space<vmem>> -> memref<256xf32, #tpu.memory_space<vmem>>
      %dma_wait3A_82 = arith.constant 0 : i32
      %dma_wait3A_83 = tpu.memref_slice %arg2[%dma_wait3A_71, %add3A, %dma_wait3A_82] : memref<4x16x256xf32, #tpu.memory_space<hbm>> -> memref<1x1x256xf32, #tpu.memory_space<hbm>>
      %dma_wait3A_84 = tpu.memref_squeeze %dma_wait3A_83 : memref<1x1x256xf32, #tpu.memory_space<hbm>> -> memref<256xf32, #tpu.memory_space<hbm>>
      tpu.wait_dma2 semaphore(%arg6 : memref<!tpu.dma_semaphore, #tpu.memory_space<semaphore_mem>>) src(%dma_wait3A_84 : memref<256xf32, #tpu.memory_space<hbm>>) dst(%dma_wait3A_81 : memref<256xf32, #tpu.memory_space<vmem>>)
      %dma_wait3A_85 = arith.constant 2 : i32
      %dma_wait3A_86 = arith.constant 2 : i32
      %dma_wait3A_87 = arith.constant 0 : i32
      %dma_wait3A_88 = tpu.memref_slice %arg4[%dma_wait3A_86, %dma_wait3A_87] : memref<4x256xf32, #tpu.memory_space<vmem>> -> memref<1x256xf32, #tpu.memory_space<vmem>>
      %dma_wait3A_89 = tpu.memref_squeeze %dma_wait3A_88 : memref<1x256xf32, #tpu.memory_space<vmem>> -> memref<256xf32, #tpu.memory_space<vmem>>
      %dma_wait3A_90 = arith.constant 0 : i32
      %dma_wait3A_91 = tpu.memref_slice %arg2[%dma_wait3A_85, %add3A, %dma_wait3A_90] : memref<4x16x256xf32, #tpu.memory_space<hbm>> -> memref<1x1x256xf32, #tpu.memory_space<hbm>>
      %dma_wait3A_92 = tpu.memref_squeeze %dma_wait3A_91 : memref<1x1x256xf32, #tpu.memory_space<hbm>> -> memref<256xf32, #tpu.memory_space<hbm>>
      %dma_wait3A_93 = arith.constant 0 : i32
      %dma_wait3A_94 = tpu.memref_slice %arg4[%dma_wait3A_86, %dma_wait3A_93] : memref<4x256xf32, #tpu.memory_space<vmem>> -> memref<1x256xf32, #tpu.memory_space<vmem>>
      %dma_wait3A_95 = tpu.memref_squeeze %dma_wait3A_94 : memref<1x256xf32, #tpu.memory_space<vmem>> -> memref<256xf32, #tpu.memory_space<vmem>>
      %dma_wait3A_96 = arith.constant 0 : i32
      %dma_wait3A_97 = tpu.memref_slice %arg2[%dma_wait3A_85, %add3A, %dma_wait3A_96] : memref<4x16x256xf32, #tpu.memory_space<hbm>> -> memref<1x1x256xf32, #tpu.memory_space<hbm>>
      %dma_wait3A_98 = tpu.memref_squeeze %dma_wait3A_97 : memref<1x1x256xf32, #tpu.memory_space<hbm>> -> memref<256xf32, #tpu.memory_space<hbm>>
      tpu.wait_dma2 semaphore(%arg6 : memref<!tpu.dma_semaphore, #tpu.memory_space<semaphore_mem>>) src(%dma_wait3A_98 : memref<256xf32, #tpu.memory_space<hbm>>) dst(%dma_wait3A_95 : memref<256xf32, #tpu.memory_space<vmem>>)
      %dma_wait3A_99 = arith.constant 3 : i32
      %dma_wait3A_100 = arith.constant 3 : i32
      %dma_wait3A_101 = arith.constant 0 : i32
      %dma_wait3A_102 = tpu.memref_slice %arg4[%dma_wait3A_100, %dma_wait3A_101] : memref<4x256xf32, #tpu.memory_space<vmem>> -> memref<1x256xf32, #tpu.memory_space<vmem>>
      %dma_wait3A_103 = tpu.memref_squeeze %dma_wait3A_102 : memref<1x256xf32, #tpu.memory_space<vmem>> -> memref<256xf32, #tpu.memory_space<vmem>>
      %dma_wait3A_104 = arith.constant 0 : i32
      %dma_wait3A_105 = tpu.memref_slice %arg2[%dma_wait3A_99, %add3A, %dma_wait3A_104] : memref<4x16x256xf32, #tpu.memory_space<hbm>> -> memref<1x1x256xf32, #tpu.memory_space<hbm>>
      %dma_wait3A_106 = tpu.memref_squeeze %dma_wait3A_105 : memref<1x1x256xf32, #tpu.memory_space<hbm>> -> memref<256xf32, #tpu.memory_space<hbm>>
      %dma_wait3A_107 = arith.constant 0 : i32
      %dma_wait3A_108 = tpu.memref_slice %arg4[%dma_wait3A_100, %dma_wait3A_107] : memref<4x256xf32, #tpu.memory_space<vmem>> -> memref<1x256xf32, #tpu.memory_space<vmem>>
      %dma_wait3A_109 = tpu.memref_squeeze %dma_wait3A_108 : memref<1x256xf32, #tpu.memory_space<vmem>> -> memref<256xf32, #tpu.memory_space<vmem>>
      %dma_wait3A_110 = arith.constant 0 : i32
      %dma_wait3A_111 = tpu.memref_slice %arg2[%dma_wait3A_99, %add3A, %dma_wait3A_110] : memref<4x16x256xf32, #tpu.memory_space<hbm>> -> memref<1x1x256xf32, #tpu.memory_space<hbm>>
      %dma_wait3A_112 = tpu.memref_squeeze %dma_wait3A_111 : memref<1x1x256xf32, #tpu.memory_space<hbm>> -> memref<256xf32, #tpu.memory_space<hbm>>
      tpu.wait_dma2 semaphore(%arg6 : memref<!tpu.dma_semaphore, #tpu.memory_space<semaphore_mem>>) src(%dma_wait3A_112 : memref<256xf32, #tpu.memory_space<hbm>>) dst(%dma_wait3A_109 : memref<256xf32, #tpu.memory_space<vmem>>)
      %get3A = arith.constant 0 : i32
      %get3A_113 = arith.index_cast %get3A : i32 to index
      %get3A_114 = arith.constant 128 : index
      %get3A_115 = tpu.vector_load %arg4[%get3A_113, %get3A_114] {strides = array<i32>} : memref<4x256xf32, #tpu.memory_space<vmem>>, vector<1x16xf32>,
      %get3A_116 = vector.shape_cast %get3A_115 : vector<1x16xf32> to vector<16xf32>
      %get3A_117 = arith.constant 1 : i32
      %get3A_118 = arith.index_cast %get3A_117 : i32 to index
      %get3A_119 = arith.constant 128 : index
      %get3A_120 = tpu.vector_load %arg4[%get3A_118, %get3A_119] {strides = array<i32>} : memref<4x256xf32, #tpu.memory_space<vmem>>, vector<1x16xf32>,
      %get3A_121 = vector.shape_cast %get3A_120 : vector<1x16xf32> to vector<16xf32>
      %add3A_122 = arith.addf %get3A_116, %get3A_121 : vector<16xf32>
      %get3A_123 = arith.constant 2 : i32
      %get3A_124 = arith.index_cast %get3A_123 : i32 to index
      %get3A_125 = arith.constant 128 : index
      %get3A_126 = tpu.vector_load %arg4[%get3A_124, %get3A_125] {strides = array<i32>} : memref<4x256xf32, #tpu.memory_space<vmem>>, vector<1x16xf32>,
      %get3A_127 = vector.shape_cast %get3A_126 : vector<1x16xf32> to vector<16xf32>
      %add3A_128 = arith.addf %add3A_122, %get3A_127 : vector<16xf32>
      %get3A_129 = arith.constant 3 : i32
      %get3A_130 = arith.index_cast %get3A_129 : i32 to index
      %get3A_131 = arith.constant 128 : index
      %get3A_132 = tpu.vector_load %arg4[%get3A_130, %get3A_131] {strides = array<i32>} : memref<4x256xf32, #tpu.memory_space<vmem>>, vector<1x16xf32>,
      %get3A_133 = vector.shape_cast %get3A_132 : vector<1x16xf32> to vector<16xf32>
      %add3A_134 = arith.addf %add3A_128, %get3A_133 : vector<16xf32>
      %gt3A = arith.constant 0.000000e+00 : f32
      %gt3A_135 = vector.broadcast %gt3A : f32 to vector<16xf32>
      %gt3A_136 = arith.cmpf ogt, %add3A_134, %gt3A_135 : vector<16xf32>
      %div3A = arith.constant 1.000000e+00 : f32
      %div3A_137 = vector.broadcast %div3A : f32 to vector<16xf32>
      %div3A_138 = arith.divf %div3A_137, %add3A_134 : vector<16xf32>
      %jit3A = arith.constant 0.000000e+00 : f32
      %broadcast_in_dim3A = vector.broadcast %jit3A : f32 to vector<16xf32>
      %select_n3A = arith.select %gt3A_136, %div3A_138, %broadcast_in_dim3A : vector<16xi1>, vector<16xf32>
      %get3A_139 = arith.constant 0 : i32
      %get3A_140 = arith.index_cast %get3A_139 : i32 to index
      %get3A_141 = arith.constant 0 : index
      %get3A_142 = tpu.vector_load %arg4[%get3A_140, %get3A_141] {strides = array<i32>} : memref<4x256xf32, #tpu.memory_space<vmem>>, vector<1x16xf32>,
      %get3A_143 = vector.shape_cast %get3A_142 : vector<1x16xf32> to vector<16xf32>
      %get3A_144 = arith.constant 1 : i32
      %get3A_145 = arith.index_cast %get3A_144 : i32 to index
      %get3A_146 = arith.constant 0 : index
      %get3A_147 = tpu.vector_load %arg4[%get3A_145, %get3A_146] {strides = array<i32>} : memref<4x256xf32, #tpu.memory_space<vmem>>, vector<1x16xf32>,
      %get3A_148 = vector.shape_cast %get3A_147 : vector<1x16xf32> to vector<16xf32>
      %add3A_149 = arith.addf %get3A_143, %get3A_148 : vector<16xf32>
      %get3A_150 = arith.constant 2 : i32
      %get3A_151 = arith.index_cast %get3A_150 : i32 to index
      %get3A_152 = arith.constant 0 : index
      %get3A_153 = tpu.vector_load %arg4[%get3A_151, %get3A_152] {strides = array<i32>} : memref<4x256xf32, #tpu.memory_space<vmem>>, vector<1x16xf32>,
      %get3A_154 = vector.shape_cast %get3A_153 : vector<1x16xf32> to vector<16xf32>
      %add3A_155 = arith.addf %add3A_149, %get3A_154 : vector<16xf32>
      %get3A_156 = arith.constant 3 : i32
      %get3A_157 = arith.index_cast %get3A_156 : i32 to index
      %get3A_158 = arith.constant 0 : index
      %get3A_159 = tpu.vector_load %arg4[%get3A_157, %get3A_158] {strides = array<i32>} : memref<4x256xf32, #tpu.memory_space<vmem>>, vector<1x16xf32>,
      %get3A_160 = vector.shape_cast %get3A_159 : vector<1x16xf32> to vector<16xf32>
      %add3A_161 = arith.addf %add3A_155, %get3A_160 : vector<16xf32>
      %mul3A_162 = arith.mulf %add3A_161, %select_n3A : vector<16xf32>
      %swap3A = arith.constant 0 : index
      %swap3A_163 = tpu.vector_load %arg5[%swap3A] {strides = array<i32>} : memref<128xf32, #tpu.memory_space<vmem>>, vector<16xf32>,
      %swap3A_164 = vector.shape_cast %swap3A_163 : vector<16xf32> to vector<16xf32>
      %swap3A_165 = vector.shape_cast %mul3A_162 : vector<16xf32> to vector<16xf32>
      tpu.vector_store %arg5[%swap3A], %swap3A_165 {strides = array<i32>} : memref<128xf32, #tpu.memory_space<vmem>>, vector<16xf32>,
      %get3A_166 = arith.constant 0 : i32
      %get3A_167 = arith.index_cast %get3A_166 : i32 to index
      %get3A_168 = arith.constant 16 : index
      %get3A_169 = tpu.vector_load %arg4[%get3A_167, %get3A_168] {strides = array<i32>} : memref<4x256xf32, #tpu.memory_space<vmem>>, vector<1x16xf32>,
      %get3A_170 = vector.shape_cast %get3A_169 : vector<1x16xf32> to vector<16xf32>
      %get3A_171 = arith.constant 1 : i32
      %get3A_172 = arith.index_cast %get3A_171 : i32 to index
      %get3A_173 = arith.constant 16 : index
      %get3A_174 = tpu.vector_load %arg4[%get3A_172, %get3A_173] {strides = array<i32>} : memref<4x256xf32, #tpu.memory_space<vmem>>, vector<1x16xf32>,
      %get3A_175 = vector.shape_cast %get3A_174 : vector<1x16xf32> to vector<16xf32>
      %add3A_176 = arith.addf %get3A_170, %get3A_175 : vector<16xf32>
      %get3A_177 = arith.constant 2 : i32
      %get3A_178 = arith.index_cast %get3A_177 : i32 to index
      %get3A_179 = arith.constant 16 : index
      %get3A_180 = tpu.vector_load %arg4[%get3A_178, %get3A_179] {strides = array<i32>} : memref<4x256xf32, #tpu.memory_space<vmem>>, vector<1x16xf32>,
      %get3A_181 = vector.shape_cast %get3A_180 : vector<1x16xf32> to vector<16xf32>
      %add3A_182 = arith.addf %add3A_176, %get3A_181 : vector<16xf32>
      %get3A_183 = arith.constant 3 : i32
      %get3A_184 = arith.index_cast %get3A_183 : i32 to index
      %get3A_185 = arith.constant 16 : index
      %get3A_186 = tpu.vector_load %arg4[%get3A_184, %get3A_185] {strides = array<i32>} : memref<4x256xf32, #tpu.memory_space<vmem>>, vector<1x16xf32>,
      %get3A_187 = vector.shape_cast %get3A_186 : vector<1x16xf32> to vector<16xf32>
      %add3A_188 = arith.addf %add3A_182, %get3A_187 : vector<16xf32>
      %mul3A_189 = arith.mulf %add3A_188, %select_n3A : vector<16xf32>
      %swap3A_190 = arith.constant 16 : index
      %swap3A_191 = tpu.vector_load %arg5[%swap3A_190] {strides = array<i32>} : memref<128xf32, #tpu.memory_space<vmem>>, vector<16xf32>,
      %swap3A_192 = vector.shape_cast %swap3A_191 : vector<16xf32> to vector<16xf32>
      %swap3A_193 = vector.shape_cast %mul3A_189 : vector<16xf32> to vector<16xf32>
      tpu.vector_store %arg5[%swap3A_190], %swap3A_193 {strides = array<i32>} : memref<128xf32, #tpu.memory_space<vmem>>, vector<16xf32>,
      %get3A_194 = arith.constant 0 : i32
      %get3A_195 = arith.index_cast %get3A_194 : i32 to index
      %get3A_196 = arith.constant 32 : index
      %get3A_197 = tpu.vector_load %arg4[%get3A_195, %get3A_196] {strides = array<i32>} : memref<4x256xf32, #tpu.memory_space<vmem>>, vector<1x16xf32>,
      %get3A_198 = vector.shape_cast %get3A_197 : vector<1x16xf32> to vector<16xf32>
      %get3A_199 = arith.constant 1 : i32
      %get3A_200 = arith.index_cast %get3A_199 : i32 to index
      %get3A_201 = arith.constant 32 : index
      %get3A_202 = tpu.vector_load %arg4[%get3A_200, %get3A_201] {strides = array<i32>} : memref<4x256xf32, #tpu.memory_space<vmem>>, vector<1x16xf32>,
      %get3A_203 = vector.shape_cast %get3A_202 : vector<1x16xf32> to vector<16xf32>
      %add3A_204 = arith.addf %get3A_198, %get3A_203 : vector<16xf32>
      %get3A_205 = arith.constant 2 : i32
      %get3A_206 = arith.index_cast %get3A_205 : i32 to index
      %get3A_207 = arith.constant 32 : index
      %get3A_208 = tpu.vector_load %arg4[%get3A_206, %get3A_207] {strides = array<i32>} : memref<4x256xf32, #tpu.memory_space<vmem>>, vector<1x16xf32>,
      %get3A_209 = vector.shape_cast %get3A_208 : vector<1x16xf32> to vector<16xf32>
      %add3A_210 = arith.addf %add3A_204, %get3A_209 : vector<16xf32>
      %get3A_211 = arith.constant 3 : i32
      %get3A_212 = arith.index_cast %get3A_211 : i32 to index
      %get3A_213 = arith.constant 32 : index
      %get3A_214 = tpu.vector_load %arg4[%get3A_212, %get3A_213] {strides = array<i32>} : memref<4x256xf32, #tpu.memory_space<vmem>>, vector<1x16xf32>,
      %get3A_215 = vector.shape_cast %get3A_214 : vector<1x16xf32> to vector<16xf32>
      %add3A_216 = arith.addf %add3A_210, %get3A_215 : vector<16xf32>
      %mul3A_217 = arith.mulf %add3A_216, %select_n3A : vector<16xf32>
      %swap3A_218 = arith.constant 32 : index
      %swap3A_219 = tpu.vector_load %arg5[%swap3A_218] {strides = array<i32>} : memref<128xf32, #tpu.memory_space<vmem>>, vector<16xf32>,
      %swap3A_220 = vector.shape_cast %swap3A_219 : vector<16xf32> to vector<16xf32>
      %swap3A_221 = vector.shape_cast %mul3A_217 : vector<16xf32> to vector<16xf32>
      tpu.vector_store %arg5[%swap3A_218], %swap3A_221 {strides = array<i32>} : memref<128xf32, #tpu.memory_space<vmem>>, vector<16xf32>,
      %get3A_222 = arith.constant 0 : i32
      %get3A_223 = arith.index_cast %get3A_222 : i32 to index
      %get3A_224 = arith.constant 48 : index
      %get3A_225 = tpu.vector_load %arg4[%get3A_223, %get3A_224] {strides = array<i32>} : memref<4x256xf32, #tpu.memory_space<vmem>>, vector<1x16xf32>,
      %get3A_226 = vector.shape_cast %get3A_225 : vector<1x16xf32> to vector<16xf32>
      %get3A_227 = arith.constant 1 : i32
      %get3A_228 = arith.index_cast %get3A_227 : i32 to index
      %get3A_229 = arith.constant 48 : index
      %get3A_230 = tpu.vector_load %arg4[%get3A_228, %get3A_229] {strides = array<i32>} : memref<4x256xf32, #tpu.memory_space<vmem>>, vector<1x16xf32>,
      %get3A_231 = vector.shape_cast %get3A_230 : vector<1x16xf32> to vector<16xf32>
      %add3A_232 = arith.addf %get3A_226, %get3A_231 : vector<16xf32>
      %get3A_233 = arith.constant 2 : i32
      %get3A_234 = arith.index_cast %get3A_233 : i32 to index
      %get3A_235 = arith.constant 48 : index
      %get3A_236 = tpu.vector_load %arg4[%get3A_234, %get3A_235] {strides = array<i32>} : memref<4x256xf32, #tpu.memory_space<vmem>>, vector<1x16xf32>,
      %get3A_237 = vector.shape_cast %get3A_236 : vector<1x16xf32> to vector<16xf32>
      %add3A_238 = arith.addf %add3A_232, %get3A_237 : vector<16xf32>
      %get3A_239 = arith.constant 3 : i32
      %get3A_240 = arith.index_cast %get3A_239 : i32 to index
      %get3A_241 = arith.constant 48 : index
      %get3A_242 = tpu.vector_load %arg4[%get3A_240, %get3A_241] {strides = array<i32>} : memref<4x256xf32, #tpu.memory_space<vmem>>, vector<1x16xf32>,
      %get3A_243 = vector.shape_cast %get3A_242 : vector<1x16xf32> to vector<16xf32>
      %add3A_244 = arith.addf %add3A_238, %get3A_243 : vector<16xf32>
      %mul3A_245 = arith.mulf %add3A_244, %select_n3A : vector<16xf32>
      %swap3A_246 = arith.constant 48 : index
      %swap3A_247 = tpu.vector_load %arg5[%swap3A_246] {strides = array<i32>} : memref<128xf32, #tpu.memory_space<vmem>>, vector<16xf32>,
      %swap3A_248 = vector.shape_cast %swap3A_247 : vector<16xf32> to vector<16xf32>
      %swap3A_249 = vector.shape_cast %mul3A_245 : vector<16xf32> to vector<16xf32>
      tpu.vector_store %arg5[%swap3A_246], %swap3A_249 {strides = array<i32>} : memref<128xf32, #tpu.memory_space<vmem>>, vector<16xf32>,
      %get3A_250 = arith.constant 0 : i32
      %get3A_251 = arith.index_cast %get3A_250 : i32 to index
      %get3A_252 = arith.constant 64 : index
      %get3A_253 = tpu.vector_load %arg4[%get3A_251, %get3A_252] {strides = array<i32>} : memref<4x256xf32, #tpu.memory_space<vmem>>, vector<1x16xf32>,
      %get3A_254 = vector.shape_cast %get3A_253 : vector<1x16xf32> to vector<16xf32>
      %get3A_255 = arith.constant 1 : i32
      %get3A_256 = arith.index_cast %get3A_255 : i32 to index
      %get3A_257 = arith.constant 64 : index
      %get3A_258 = tpu.vector_load %arg4[%get3A_256, %get3A_257] {strides = array<i32>} : memref<4x256xf32, #tpu.memory_space<vmem>>, vector<1x16xf32>,
      %get3A_259 = vector.shape_cast %get3A_258 : vector<1x16xf32> to vector<16xf32>
      %add3A_260 = arith.addf %get3A_254, %get3A_259 : vector<16xf32>
      %get3A_261 = arith.constant 2 : i32
      %get3A_262 = arith.index_cast %get3A_261 : i32 to index
      %get3A_263 = arith.constant 64 : index
      %get3A_264 = tpu.vector_load %arg4[%get3A_262, %get3A_263] {strides = array<i32>} : memref<4x256xf32, #tpu.memory_space<vmem>>, vector<1x16xf32>,
      %get3A_265 = vector.shape_cast %get3A_264 : vector<1x16xf32> to vector<16xf32>
      %add3A_266 = arith.addf %add3A_260, %get3A_265 : vector<16xf32>
      %get3A_267 = arith.constant 3 : i32
      %get3A_268 = arith.index_cast %get3A_267 : i32 to index
      %get3A_269 = arith.constant 64 : index
      %get3A_270 = tpu.vector_load %arg4[%get3A_268, %get3A_269] {strides = array<i32>} : memref<4x256xf32, #tpu.memory_space<vmem>>, vector<1x16xf32>,
      %get3A_271 = vector.shape_cast %get3A_270 : vector<1x16xf32> to vector<16xf32>
      %add3A_272 = arith.addf %add3A_266, %get3A_271 : vector<16xf32>
      %mul3A_273 = arith.mulf %add3A_272, %select_n3A : vector<16xf32>
      %swap3A_274 = arith.constant 64 : index
      %swap3A_275 = tpu.vector_load %arg5[%swap3A_274] {strides = array<i32>} : memref<128xf32, #tpu.memory_space<vmem>>, vector<16xf32>,
      %swap3A_276 = vector.shape_cast %swap3A_275 : vector<16xf32> to vector<16xf32>
      %swap3A_277 = vector.shape_cast %mul3A_273 : vector<16xf32> to vector<16xf32>
      tpu.vector_store %arg5[%swap3A_274], %swap3A_277 {strides = array<i32>} : memref<128xf32, #tpu.memory_space<vmem>>, vector<16xf32>,
      %get3A_278 = arith.constant 0 : i32
      %get3A_279 = arith.index_cast %get3A_278 : i32 to index
      %get3A_280 = arith.constant 80 : index
      %get3A_281 = tpu.vector_load %arg4[%get3A_279, %get3A_280] {strides = array<i32>} : memref<4x256xf32, #tpu.memory_space<vmem>>, vector<1x16xf32>,
      %get3A_282 = vector.shape_cast %get3A_281 : vector<1x16xf32> to vector<16xf32>
      %get3A_283 = arith.constant 1 : i32
      %get3A_284 = arith.index_cast %get3A_283 : i32 to index
      %get3A_285 = arith.constant 80 : index
      %get3A_286 = tpu.vector_load %arg4[%get3A_284, %get3A_285] {strides = array<i32>} : memref<4x256xf32, #tpu.memory_space<vmem>>, vector<1x16xf32>,
      %get3A_287 = vector.shape_cast %get3A_286 : vector<1x16xf32> to vector<16xf32>
      %add3A_288 = arith.addf %get3A_282, %get3A_287 : vector<16xf32>
      %get3A_289 = arith.constant 2 : i32
      %get3A_290 = arith.index_cast %get3A_289 : i32 to index
      %get3A_291 = arith.constant 80 : index
      %get3A_292 = tpu.vector_load %arg4[%get3A_290, %get3A_291] {strides = array<i32>} : memref<4x256xf32, #tpu.memory_space<vmem>>, vector<1x16xf32>,
      %get3A_293 = vector.shape_cast %get3A_292 : vector<1x16xf32> to vector<16xf32>
      %add3A_294 = arith.addf %add3A_288, %get3A_293 : vector<16xf32>
      %get3A_295 = arith.constant 3 : i32
      %get3A_296 = arith.index_cast %get3A_295 : i32 to index
      %get3A_297 = arith.constant 80 : index
      %get3A_298 = tpu.vector_load %arg4[%get3A_296, %get3A_297] {strides = array<i32>} : memref<4x256xf32, #tpu.memory_space<vmem>>, vector<1x16xf32>,
      %get3A_299 = vector.shape_cast %get3A_298 : vector<1x16xf32> to vector<16xf32>
      %add3A_300 = arith.addf %add3A_294, %get3A_299 : vector<16xf32>
      %mul3A_301 = arith.mulf %add3A_300, %select_n3A : vector<16xf32>
      %swap3A_302 = arith.constant 80 : index
      %swap3A_303 = tpu.vector_load %arg5[%swap3A_302] {strides = array<i32>} : memref<128xf32, #tpu.memory_space<vmem>>, vector<16xf32>,
      %swap3A_304 = vector.shape_cast %swap3A_303 : vector<16xf32> to vector<16xf32>
      %swap3A_305 = vector.shape_cast %mul3A_301 : vector<16xf32> to vector<16xf32>
      tpu.vector_store %arg5[%swap3A_302], %swap3A_305 {strides = array<i32>} : memref<128xf32, #tpu.memory_space<vmem>>, vector<16xf32>,
      %get3A_306 = arith.constant 0 : i32
      %get3A_307 = arith.index_cast %get3A_306 : i32 to index
      %get3A_308 = arith.constant 96 : index
      %get3A_309 = tpu.vector_load %arg4[%get3A_307, %get3A_308] {strides = array<i32>} : memref<4x256xf32, #tpu.memory_space<vmem>>, vector<1x16xf32>,
      %get3A_310 = vector.shape_cast %get3A_309 : vector<1x16xf32> to vector<16xf32>
      %get3A_311 = arith.constant 1 : i32
      %get3A_312 = arith.index_cast %get3A_311 : i32 to index
      %get3A_313 = arith.constant 96 : index
      %get3A_314 = tpu.vector_load %arg4[%get3A_312, %get3A_313] {strides = array<i32>} : memref<4x256xf32, #tpu.memory_space<vmem>>, vector<1x16xf32>,
      %get3A_315 = vector.shape_cast %get3A_314 : vector<1x16xf32> to vector<16xf32>
      %add3A_316 = arith.addf %get3A_310, %get3A_315 : vector<16xf32>
      %get3A_317 = arith.constant 2 : i32
      %get3A_318 = arith.index_cast %get3A_317 : i32 to index
      %get3A_319 = arith.constant 96 : index
      %get3A_320 = tpu.vector_load %arg4[%get3A_318, %get3A_319] {strides = array<i32>} : memref<4x256xf32, #tpu.memory_space<vmem>>, vector<1x16xf32>,
      %get3A_321 = vector.shape_cast %get3A_320 : vector<1x16xf32> to vector<16xf32>
      %add3A_322 = arith.addf %add3A_316, %get3A_321 : vector<16xf32>
      %get3A_323 = arith.constant 3 : i32
      %get3A_324 = arith.index_cast %get3A_323 : i32 to index
      %get3A_325 = arith.constant 96 : index
      %get3A_326 = tpu.vector_load %arg4[%get3A_324, %get3A_325] {strides = array<i32>} : memref<4x256xf32, #tpu.memory_space<vmem>>, vector<1x16xf32>,
      %get3A_327 = vector.shape_cast %get3A_326 : vector<1x16xf32> to vector<16xf32>
      %add3A_328 = arith.addf %add3A_322, %get3A_327 : vector<16xf32>
      %mul3A_329 = arith.mulf %add3A_328, %select_n3A : vector<16xf32>
      %swap3A_330 = arith.constant 96 : index
      %swap3A_331 = tpu.vector_load %arg5[%swap3A_330] {strides = array<i32>} : memref<128xf32, #tpu.memory_space<vmem>>, vector<16xf32>,
      %swap3A_332 = vector.shape_cast %swap3A_331 : vector<16xf32> to vector<16xf32>
      %swap3A_333 = vector.shape_cast %mul3A_329 : vector<16xf32> to vector<16xf32>
      tpu.vector_store %arg5[%swap3A_330], %swap3A_333 {strides = array<i32>} : memref<128xf32, #tpu.memory_space<vmem>>, vector<16xf32>,
      %get3A_334 = arith.constant 0 : i32
      %get3A_335 = arith.index_cast %get3A_334 : i32 to index
      %get3A_336 = arith.constant 112 : index
      %get3A_337 = tpu.vector_load %arg4[%get3A_335, %get3A_336] {strides = array<i32>} : memref<4x256xf32, #tpu.memory_space<vmem>>, vector<1x16xf32>,
      %get3A_338 = vector.shape_cast %get3A_337 : vector<1x16xf32> to vector<16xf32>
      %get3A_339 = arith.constant 1 : i32
      %get3A_340 = arith.index_cast %get3A_339 : i32 to index
      %get3A_341 = arith.constant 112 : index
      %get3A_342 = tpu.vector_load %arg4[%get3A_340, %get3A_341] {strides = array<i32>} : memref<4x256xf32, #tpu.memory_space<vmem>>, vector<1x16xf32>,
      %get3A_343 = vector.shape_cast %get3A_342 : vector<1x16xf32> to vector<16xf32>
      %add3A_344 = arith.addf %get3A_338, %get3A_343 : vector<16xf32>
      %get3A_345 = arith.constant 2 : i32
      %get3A_346 = arith.index_cast %get3A_345 : i32 to index
      %get3A_347 = arith.constant 112 : index
      %get3A_348 = tpu.vector_load %arg4[%get3A_346, %get3A_347] {strides = array<i32>} : memref<4x256xf32, #tpu.memory_space<vmem>>, vector<1x16xf32>,
      %get3A_349 = vector.shape_cast %get3A_348 : vector<1x16xf32> to vector<16xf32>
      %add3A_350 = arith.addf %add3A_344, %get3A_349 : vector<16xf32>
      %get3A_351 = arith.constant 3 : i32
      %get3A_352 = arith.index_cast %get3A_351 : i32 to index
      %get3A_353 = arith.constant 112 : index
      %get3A_354 = tpu.vector_load %arg4[%get3A_352, %get3A_353] {strides = array<i32>} : memref<4x256xf32, #tpu.memory_space<vmem>>, vector<1x16xf32>,
      %get3A_355 = vector.shape_cast %get3A_354 : vector<1x16xf32> to vector<16xf32>
      %add3A_356 = arith.addf %add3A_350, %get3A_355 : vector<16xf32>
      %mul3A_357 = arith.mulf %add3A_356, %select_n3A : vector<16xf32>
      %swap3A_358 = arith.constant 112 : index
      %swap3A_359 = tpu.vector_load %arg5[%swap3A_358] {strides = array<i32>} : memref<128xf32, #tpu.memory_space<vmem>>, vector<16xf32>,
      %swap3A_360 = vector.shape_cast %swap3A_359 : vector<16xf32> to vector<16xf32>
      %swap3A_361 = vector.shape_cast %mul3A_357 : vector<16xf32> to vector<16xf32>
      tpu.vector_store %arg5[%swap3A_358], %swap3A_361 {strides = array<i32>} : memref<128xf32, #tpu.memory_space<vmem>>, vector<16xf32>,
      "tpu.region"() ({
        %run_scoped3A = tpu.sem_alloc : memref<!tpu.dma_semaphore, #tpu.memory_space<semaphore_mem>>
        %dma_start3A_362 = arith.constant 0 : i32
        %dma_start3A_363 = tpu.memref_slice %arg3[%add3A, %dma_start3A_362] : memref<16x128xf32, #tpu.memory_space<hbm>> -> memref<1x128xf32, #tpu.memory_space<hbm>>
        %dma_start3A_364 = tpu.memref_squeeze %dma_start3A_363 : memref<1x128xf32, #tpu.memory_space<hbm>> -> memref<128xf32, #tpu.memory_space<hbm>>
        %dma_start3A_365 = arith.constant 0 : i32
        %dma_start3A_366 = tpu.memref_slice %arg3[%add3A, %dma_start3A_365] : memref<16x128xf32, #tpu.memory_space<hbm>> -> memref<1x128xf32, #tpu.memory_space<hbm>>
        %dma_start3A_367 = tpu.memref_squeeze %dma_start3A_366 : memref<1x128xf32, #tpu.memory_space<hbm>> -> memref<128xf32, #tpu.memory_space<hbm>>
        tpu.enqueue_dma source(%arg5 : memref<128xf32, #tpu.memory_space<vmem>>) target(%dma_start3A_367 : memref<128xf32, #tpu.memory_space<hbm>>) target_semaphore(%run_scoped3A : memref<!tpu.dma_semaphore, #tpu.memory_space<semaphore_mem>>)
        %dma_wait3A_368 = arith.constant 0 : i32
        %dma_wait3A_369 = tpu.memref_slice %arg3[%add3A, %dma_wait3A_368] : memref<16x128xf32, #tpu.memory_space<hbm>> -> memref<1x128xf32, #tpu.memory_space<hbm>>
        %dma_wait3A_370 = tpu.memref_squeeze %dma_wait3A_369 : memref<1x128xf32, #tpu.memory_space<hbm>> -> memref<128xf32, #tpu.memory_space<hbm>>
        %dma_wait3A_371 = arith.constant 0 : i32
        %dma_wait3A_372 = tpu.memref_slice %arg3[%add3A, %dma_wait3A_371] : memref<16x128xf32, #tpu.memory_space<hbm>> -> memref<1x128xf32, #tpu.memory_space<hbm>>
        %dma_wait3A_373 = tpu.memref_squeeze %dma_wait3A_372 : memref<1x128xf32, #tpu.memory_space<hbm>> -> memref<128xf32, #tpu.memory_space<hbm>>
        tpu.wait_dma2 semaphore(%run_scoped3A : memref<!tpu.dma_semaphore, #tpu.memory_space<semaphore_mem>>) src(%arg5 : memref<128xf32, #tpu.memory_space<vmem>>) dst(%dma_wait3A_373 : memref<128xf32, #tpu.memory_space<hbm>>)
        tpu.yield
      }) : () -> ()
    } else {
    }
    return
  }
}

module attributes {stable_mosaic.version = 14 : i64} {
  func.func @_partials_body(%arg0: i32, %arg1: memref<16x1xi32, #tpu.memory_space<vmem>>, %arg2: memref<16x1xi32, #tpu.memory_space<vmem>>, %arg3: memref<8192x128xf32, #tpu.memory_space<vmem>>, %arg4: memref<128x128xf32, #tpu.memory_space<vmem>>, %arg5: memref<1x128xf32, #tpu.memory_space<vmem>>, %arg6: memref<128x1xf32, #tpu.memory_space<vmem>>, %arg7: memref<1x1xf32, #tpu.memory_space<vmem>>, %arg8: memref<1x16x256xf32, #tpu.memory_space<vmem>>) attributes {dimension_semantics = [#tpu.dimension_semantics<arbitrary>], iteration_bounds = array<i64: 4>, scalar_prefetch = 0 : i64, scratch_operands = 0 : i64, tpu.core_type = #tpu.core_type<tc>, window_params = [{pipeline_mode = #tpu.pipeline_mode<synchronous>, transform_indices = @transform_0, window_bounds = array<i64: 16, 1>}, {pipeline_mode = #tpu.pipeline_mode<synchronous>, transform_indices = @transform_1, window_bounds = array<i64: 16, 1>}, {transform_indices = @transform_2, window_bounds = array<i64: 8192, 128>}, {pipeline_mode = #tpu.pipeline_mode<synchronous>, transform_indices = @transform_3, window_bounds = array<i64: 128, 128>}, {pipeline_mode = #tpu.pipeline_mode<synchronous>, transform_indices = @transform_4, window_bounds = array<i64: 1, 128>}, {pipeline_mode = #tpu.pipeline_mode<synchronous>, transform_indices = @transform_5, window_bounds = array<i64: 128, 1>}, {pipeline_mode = #tpu.pipeline_mode<synchronous>, transform_indices = @transform_6, window_bounds = array<i64: 1, 1>}, {transform_indices = @transform_7, window_bounds = array<i64: 1, 16, 256>}]} {
    %get3A = arith.constant 0 : index
    %get3A_0 = arith.constant 0 : index
    %get3A_1 = vector.load %arg3[%get3A, %get3A_0] : memref<8192x128xf32, #tpu.memory_space<vmem>>, vector<8192x128xf32>
    %convert_element_type3A = arith.truncf %get3A_1 : vector<8192x128xf32> to vector<8192x128xbf16>
    %get3A_2 = arith.constant 0 : index
    %get3A_3 = arith.constant 0 : index
    %get3A_4 = vector.load %arg4[%get3A_2, %get3A_3] : memref<128x128xf32, #tpu.memory_space<vmem>>, vector<128x128xf32>
    %convert_element_type3A_5 = arith.truncf %get3A_4 : vector<128x128xf32> to vector<128x128xbf16>
    %dot_general3A = arith.constant dense<0.000000e+00> : vector<8192x128xf32>
    %dot_general3A_6 = tpu.matmul %convert_element_type3A, %convert_element_type3A_5, %dot_general3A {dimension_numbers = #tpu.dot_dimension_numbers<[1], [0], [0], [1], [0, 0, 1, 1], [], []>, transpose_lhs_hint = false} : vector<8192x128xbf16>, vector<128x128xbf16>, vector<8192x128xf32> -> vector<8192x128xf32>
    %get3A_7 = arith.constant 0 : index
    %get3A_8 = arith.constant 0 : index
    %get3A_9 = vector.load %arg5[%get3A_7, %get3A_8] : memref<1x128xf32, #tpu.memory_space<vmem>>, vector<1x128xf32>
    %add3A = vector.broadcast %get3A_9 : vector<1x128xf32> to vector<8192x128xf32>
    %add3A_10 = arith.addf %dot_general3A_6, %add3A : vector<8192x128xf32>
    %tanh3A = math.tanh %add3A_10 : vector<8192x128xf32>
    %get3A_11 = arith.constant 0 : index
    %get3A_12 = arith.constant 0 : index
    %get3A_13 = vector.load %arg6[%get3A_11, %get3A_12] : memref<128x1xf32, #tpu.memory_space<vmem>>, vector<128x1xf32>
    %dot_general3A_14 = arith.constant dense<0.000000e+00> : vector<1x8192xf32>
    %dot_general3A_15 = tpu.matmul %get3A_13, %tanh3A, %dot_general3A_14 {dimension_numbers = #tpu.dot_dimension_numbers<[0], [1], [1], [0], [0, 1, 1, 0], [], []>, transpose_lhs_hint = false} : vector<128x1xf32>, vector<8192x128xf32>, vector<1x8192xf32> -> vector<1x8192xf32>
    %get3A_16 = arith.constant 0 : index
    %get3A_17 = arith.constant 0 : index
    %get3A_18 = vector.load %arg7[%get3A_16, %get3A_17] : memref<1x1xf32, #tpu.memory_space<vmem>>, vector<1x1xf32>
    %get3A_19 = vector.extract %get3A_18[0, 0] : f32 from vector<1x1xf32>
    %add3A_20 = vector.broadcast %get3A_19 : f32 to vector<1x8192xf32>
    %add3A_21 = arith.addf %dot_general3A_15, %add3A_20 : vector<1x8192xf32>
    %exp3A = math.exp %add3A_21 : vector<1x8192xf32>
    %mul3A = arith.constant 8192 : i32
    %mul3A_22 = arith.muli %arg0, %mul3A : i32
    %iota3A = tpu.iota {dimensions = array<i32: 1>} : vector<16x8192xi32>
    %add3A_23 = vector.broadcast %mul3A_22 : i32 to vector<16x8192xi32>
    %add3A_24 = arith.addi %add3A_23, %iota3A : vector<16x8192xi32>
    %get3A_25 = arith.constant 0 : index
    %get3A_26 = arith.constant 0 : index
    %get3A_27 = vector.load %arg1[%get3A_25, %get3A_26] : memref<16x1xi32, #tpu.memory_space<vmem>>, vector<16x1xi32>
    %ge3A = vector.broadcast %get3A_27 : vector<16x1xi32> to vector<16x8192xi32>
    %ge3A_28 = arith.cmpi sge, %add3A_24, %ge3A : vector<16x8192xi32>
    %get3A_29 = arith.constant 0 : index
    %get3A_30 = arith.constant 0 : index
    %get3A_31 = vector.load %arg2[%get3A_29, %get3A_30] : memref<16x1xi32, #tpu.memory_space<vmem>>, vector<16x1xi32>
    %lt3A = vector.broadcast %get3A_31 : vector<16x1xi32> to vector<16x8192xi32>
    %lt3A_32 = arith.cmpi slt, %add3A_24, %lt3A : vector<16x8192xi32>
    %and3A = arith.andi %ge3A_28, %lt3A_32 : vector<16x8192xi1>
    %jit3A = arith.constant 0.000000e+00 : f32
    %broadcast_in_dim3A = vector.shape_cast %exp3A : vector<1x8192xf32> to vector<1x8192xf32>
    %broadcast_in_dim3A_33 = vector.broadcast %broadcast_in_dim3A : vector<1x8192xf32> to vector<16x8192xf32>
    %broadcast_in_dim3A_34 = vector.broadcast %jit3A : f32 to vector<16x8192xf32>
    %select_n3A = arith.select %and3A, %broadcast_in_dim3A_33, %broadcast_in_dim3A_34 : vector<16x8192xi1>, vector<16x8192xf32>
    %reduce_sum3A = arith.constant dense<0.000000e+00> : vector<16xf32>
    %reduce_sum3A_35 = vector.multi_reduction <add>, %select_n3A, %reduce_sum3A [1] : vector<16x8192xf32> to vector<16xf32>
    %broadcast_in_dim3A_36 = vector.shape_cast %reduce_sum3A_35 : vector<16xf32> to vector<16x1xf32>
    %dot_general3A_37 = arith.constant dense<0.000000e+00> : vector<16x128xf32>
    %dot_general3A_38 = tpu.matmul %select_n3A, %get3A_1, %dot_general3A_37 {dimension_numbers = #tpu.dot_dimension_numbers<[1], [0], [0], [1], [0, 0, 1, 1], [], []>, transpose_lhs_hint = false} : vector<16x8192xf32>, vector<8192x128xf32>, vector<16x128xf32> -> vector<16x128xf32>
    %broadcast_in_dim3A_39 = vector.shape_cast %broadcast_in_dim3A_36 : vector<16x1xf32> to vector<16x1xf32>
    %broadcast_in_dim3A_40 = vector.broadcast %broadcast_in_dim3A_39 : vector<16x1xf32> to vector<16x128xf32>
    %concatenate3A = tpu.concatenate %dot_general3A_38, %broadcast_in_dim3A_40 in 1 : vector<16x128xf32>, vector<16x128xf32> -> vector<16x256xf32>
    %reshape3A = vector.shape_cast %concatenate3A : vector<16x256xf32> to vector<1x16x256xf32>
    %swap3A = arith.constant 0 : index
    %swap3A_41 = arith.constant 0 : index
    %swap3A_42 = arith.constant 0 : index
    %swap3A_43 = vector.load %arg8[%swap3A, %swap3A_41, %swap3A_42] : memref<1x16x256xf32, #tpu.memory_space<vmem>>, vector<1x16x256xf32>
    tpu.vector_store %arg8[%swap3A, %swap3A_41, %swap3A_42], %reshape3A {strides = array<i32>} : memref<1x16x256xf32, #tpu.memory_space<vmem>>, vector<1x16x256xf32>,
    return
  }
  func.func @transform_0(%arg0: i32) -> (i32, i32) {
    %c0_i32 = arith.constant 0 : i32
    %c0_i32_0 = arith.constant 0 : i32
    %c0_i32_1 = arith.constant 0 : i32
    return %c0_i32, %c0_i32_0 : i32, i32
  }
  func.func @transform_1(%arg0: i32) -> (i32, i32) {
    %c0_i32 = arith.constant 0 : i32
    %c0_i32_0 = arith.constant 0 : i32
    %c0_i32_1 = arith.constant 0 : i32
    return %c0_i32, %c0_i32_0 : i32, i32
  }
  func.func @transform_2(%arg0: i32) -> (i32, i32) {
    %c0_i32 = arith.constant 0 : i32
    %c0_i32_0 = arith.constant 0 : i32
    return %arg0, %c0_i32 : i32, i32
  }
  func.func @transform_3(%arg0: i32) -> (i32, i32) {
    %c0_i32 = arith.constant 0 : i32
    %c0_i32_0 = arith.constant 0 : i32
    %c0_i32_1 = arith.constant 0 : i32
    return %c0_i32, %c0_i32_0 : i32, i32
  }
  func.func @transform_4(%arg0: i32) -> (i32, i32) {
    %c0_i32 = arith.constant 0 : i32
    %c0_i32_0 = arith.constant 0 : i32
    %c0_i32_1 = arith.constant 0 : i32
    return %c0_i32, %c0_i32_0 : i32, i32
  }
  func.func @transform_5(%arg0: i32) -> (i32, i32) {
    %c0_i32 = arith.constant 0 : i32
    %c0_i32_0 = arith.constant 0 : i32
    %c0_i32_1 = arith.constant 0 : i32
    return %c0_i32, %c0_i32_0 : i32, i32
  }
  func.func @transform_6(%arg0: i32) -> (i32, i32) {
    %c0_i32 = arith.constant 0 : i32
    %c0_i32_0 = arith.constant 0 : i32
    %c0_i32_1 = arith.constant 0 : i32
    return %c0_i32, %c0_i32_0 : i32, i32
  }
  func.func @transform_7(%arg0: i32) -> (i32, i32, i32) {
    %c0_i32 = arith.constant 0 : i32
    %c0_i32_0 = arith.constant 0 : i32
    %c0_i32_1 = arith.constant 0 : i32
    return %arg0, %c0_i32, %c0_i32_0 : i32, i32, i32
  }
}

</mosaic_0001>

<sc_bundles>
// kernel: kernel.4.cloned.1.call-start
scs
__scs_entry_jumppad:
0x0: {  	(pc) =	sbr.rel $0x88, $3  }
0x1: {  	(tag) =	ssettag $0x0;
	lr =	simm.s32 $0x1  }
0x2: {  	[smem:$0x3F9B] =	sst lr;
	_ =	strace $0xD0000000  }
0x3: {  	_ = 	snop  }
0x4: {  	_ = 	snop  }
0x5: {  	_ = 	snop  }
0x6: {  	_ = 	snop  }
0x7: {  	_ = 	snop  }
__scs_overlays_trampoline_lowered:
0x8: {  	[smem:$0x3FAA] =	sst s0  }
0x9: {  	[smem:$0x3FAB] =	sst s1  }
0xa: {  	[smem:$0x3FAC] =	sst s2  }
0xb: {  	[smem:$0x3FAD] =	sst s3  }
0xc: {  	[smem:$0x3FAE] =	sst s4  }
0xd: {  	[smem:$0x3FAF] =	sst s5  }
0xe: {  	[smem:$0x3FB0] =	sst s6  }
0xf: {  	[smem:$0x3FB1] =	sst s7  }
0x10: {  	[smem:$0x3FB2] =	sst s8  }
0x11: {  	[smem:$0x3FB3] =	sst s9;
	s0 =	simm.s32 @!p0 $0x0  }
0x12: {  	s1 =	sld [smem:$0x3F99];
	s0 =	simm.s32 @p0 $0x1  }
0x13: {  	[smem:$0x3FB4] =	sst s0;
	s0 =	simm.s32 @!p1 $0x0  }
0x14: {  	s2 =	sld [smem:$0x3F98];
	s0 =	simm.s32 @p1 $0x1  }
0x15: {  	[smem:$0x3FB5] =	sst s0;
	s0 =	simm.s32 @!p2 $0x0  }
0x16: {  	s3 =	sld [smem:$0x3FDB];
	s0 =	simm.s32 @p2 $0x1  }
0x17: {  	s4 =	simm.s32 $0x1BF5;
	[smem:$0x3FB7] =	sst s0  }
0x18: {  	s0 =	sld [smem:$0x3F9A];
	_ =	swait.ge [sflag:s4], $0x0  }
0x19: {  	s7 =	sld [smem:$0x3F9B]  }
0x1a: {  	s8 =	sadd.s32 $0xFFFFE003, lr  }
0x1b: {  	s9 =	sadd.s32 $0xFFFFFEF7, lr;
	s5 =	simm.s32 $0xFFFFFFFF;
	p2 =	slt.u32 s8, $0xFFFFF086  }
0x1c: {  	p1 =	slt.u32 s9, $0xF7A;
	s5 =	simm.s32 @!p2 $0x0  }
0x1d: {  	s5 =	simm.s32 @p1 $0x1;
	p0 =	seq.s32 s7, s2  }
0x1e: {  	s7 =	smul.u32 @!p0 $0xF7A, s2;
	p2 =	seq.s32 @!p0 s5, $0x0  }
0x1f: {  	s9 =	smul.u32 $0xF7A, s1;
	s8 =	simm.s32 @!p0 $0x1BF5;
	p2 =	por !p2, p0  }
0x20: {  	[sflag:s8] =	ssyncset.s32 @!p0 $0xFFFFF086;
	s6 =	sadd.s32 @!p0 s3, s7;
	s7 =	simm.s32 @!p0 $0x108  }
0x21: {  	s3 =	sadd.s32 s3, s9;
	s6 =	sadd.s32 @!p0 $0x88, s6;
	s7 =	simm.s32 @p2 $0x1082  }
0x22: {  	[simem:s7], [sflag:s8] =	dma.local @!p0 [hbm:s6], $0xF7A  }
0x23: {  	s9 =	sor.u32 $0xD0000000, s2;
	s6 =	simm.s32 $0x108;
	_ =	swait.ge @!p0 [sflag:s8], $0x0  }
0x24: {  	s3 =	sadd.s32 $0x88, s3;
	s6 =	simm.s32 @!p1 $0x1082;
	[sflag:s4] =	ssyncset.s32 $0xFFFFF086  }
0x25: {  	[simem:s6], [sflag:s4] =	dma.local [hbm:s3], $0xF7A  }
0x26: {  	[smem:$0x3F9B] =	sst s1;
	(tag) =	ssettag s2;
	_ =	strace s9  }
0x27: {  	s1 =	sld [smem:$0x3FAB]  }
0x28: {  	s2 =	sld [smem:$0x3FAC]  }
0x29: {  	s4 =	sld [smem:$0x3FAE]  }
0x2a: {  	p0 =	seq.s32 s5, $0x0;
	s5 =	sld [smem:$0x3FAF]  }
0x2b: {  	s6 =	sld [smem:$0x3FB0]  }
0x2c: {  	s7 =	sld [smem:$0x3FB1]  }
0x2d: {  	s3 =	simm.s32 $0x108;
	s8 =	sld [smem:$0x3FB2]  }
0x2e: {  	s3 =	simm.s32 @!p0 $0x1082;
	s9 =	sld [smem:$0x3FB3]  }
0x2f: {  	lr =	sadd.s32 s0, s3;
	s0 =	sld [smem:$0x3FAA]  }
0x30: {  	s3 =	sld [smem:$0x3FAD]  }
0x31: {  	[smem:$0x3FB6] =	sst s10  }
0x32: {  	s10 =	sld [smem:$0x3FB4];
	_ =	sdelay $0x3  }
0x33: {  	p0 =	seq.s32 s10, $0x1;
	s10 =	sld [smem:$0x3FB6];
	_ =	sdelay $0x3  }
0x34: {  	[smem:$0x3FB6] =	sst s10  }
0x35: {  	s10 =	sld [smem:$0x3FB5];
	_ =	sdelay $0x3  }
0x36: {  	p1 =	seq.s32 s10, $0x1;
	s10 =	sld [smem:$0x3FB6];
	_ =	sdelay $0x3  }
0x37: {  	[smem:$0x3FB6] =	sst s10  }
0x38: {  	s10 =	sld [smem:$0x3FB7]  }
0x39: {  	_ = 	snop;
	(pc) =	sbr.ind lr, $3  }
0x3a: {  	_ = 	snop  }
0x3b: {  	_ = 	snop  }
0x3c: {  	p2 =	seq.s32 s10, $0x1;
	s10 =	sld [smem:$0x3FB6]  }
0x3d: {  	_ =	shalt  }
0x3e: {  	_ =	shalt  }
0x3f: {  	_ =	shalt  }
0x40: {  	_ =	shalt  }
0x41: {  	_ =	shalt  }
0x42: {  	_ =	shalt  }
0x43: {  	_ =	shalt  }
0x44: {  	_ =	shalt  }
0x45: {  	_ =	shalt  }
0x46: {  	_ =	shalt  }
0x47: {  	_ =	shalt  }
0x48: {  	_ =	shalt  }
0x49: {  	_ =	shalt  }
0x4a: {  	_ =	shalt  }
0x4b: {  	_ =	shalt  }
0x4c: {  	_ =	shalt  }
0x4d: {  	_ =	shalt  }
0x4e: {  	_ =	shalt  }
0x4f: {  	_ =	shalt  }
0x50: {  	_ =	shalt  }
0x51: {  	_ =	shalt  }
0x52: {  	_ =	shalt  }
0x53: {  	_ =	shalt  }
0x54: {  	_ =	shalt  }
0x55: {  	_ =	shalt  }
0x56: {  	_ =	shalt  }
0x57: {  	_ =	shalt  }
0x58: {  	_ =	shalt  }
0x59: {  	_ =	shalt  }
0x5a: {  	_ =	shalt  }
0x5b: {  	_ =	shalt  }
0x5c: {  	_ =	shalt  }
0x5d: {  	_ =	shalt  }
0x5e: {  	_ =	shalt  }
0x5f: {  	_ =	shalt  }
0x60: {  	_ =	shalt  }
0x61: {  	_ =	shalt  }
0x62: {  	_ =	shalt  }
0x63: {  	_ =	shalt  }
0x64: {  	_ =	shalt  }
0x65: {  	_ =	shalt  }
0x66: {  	_ =	shalt  }
0x67: {  	_ =	shalt  }
0x68: {  	_ =	shalt  }
0x69: {  	_ =	shalt  }
0x6a: {  	_ =	shalt  }
0x6b: {  	_ =	shalt  }
0x6c: {  	_ =	shalt  }
0x6d: {  	_ =	shalt  }
0x6e: {  	_ =	shalt  }
0x6f: {  	_ =	shalt  }
0x70: {  	_ =	shalt  }
0x71: {  	_ =	shalt  }
0x72: {  	_ =	shalt  }
0x73: {  	_ =	shalt  }
0x74: {  	_ =	shalt  }
0x75: {  	_ =	shalt  }
0x76: {  	_ =	shalt  }
0x77: {  	_ =	shalt  }
0x78: {  	_ =	shalt  }
0x79: {  	_ =	shalt  }
0x7a: {  	_ =	shalt  }
0x7b: {  	_ =	shalt  }
0x7c: {  	_ =	shalt  }
0x7d: {  	_ =	shalt  }
0x7e: {  	_ =	shalt  }
0x7f: {  	_ =	shalt  }
0x80: {  	_ =	shalt  }
0x81: {  	_ =	shalt  }
0x82: {  	_ =	shalt  }
0x83: {  	_ =	shalt  }
0x84: {  	_ =	shalt  }
0x85: {  	_ =	shalt  }
0x86: {  	_ =	shalt  }
0x87: {  	_ =	shalt  }
.Lfunc_end0:
.L_simem_size_0:
called_computation_lowered:
.L_overlay_start_0:
0x88: {  	s2 =	sld [smem:$0x3FD9]  }
0x89: {  	s3 =	sld [smem:$0x3FFE];
	_ =	sdelay $0x1  }
0x8a: {  	s1 =	srdreg.scid  }
0x8b: {  	s0 =	sand.u32 $0x1, s1  }
0x8c: {  	s17 =	sshll.u32 s0, $0xA;
	s2 =	sadd.s32 s3, s2  }
0x8d: {  	s2 =	sadd.s32 s2, s17  }
0x8e: {  	[smem:$0x3FC2] =	sst s2  }
0x8f: {  	_ = 	snop  }
0x90: {  	s2 =	sld [smem:$0x3FD0];
	(tm) =	ssettm $0x1  }
0x91: {  	s18 =	sld [smem:$0x3FFB];
	_ =	sdelay $0x3  }
0x92: {  	_ =	strace s18  }
0x93: {  	s3 =	sld [smem:$0x3FFC];
	_ =	sdelay $0x3  }
0x94: {  	_ =	strace s3  }
0x95: {  	s3 =	sld [smem:$0x3FFD];
	_ =	sdelay $0x3  }
0x96: {  	_ =	strace s3  }
0x97: {  	_ =	strace $0x8FFFFFFF  }
0x98: {  	s19 =	sld [smem:$0x3FDB];
	_ =	sdelay $0x1  }
0x99: {  	s4 =	simm.s32 $_scs_section_size  }
0x9a: {  	s5 =	simm.s32 $_size__tile_overlayer_lowered;
	s6 =	simm.s32 $_tile_overlayer_lowered  }
0x9b: {  	s22 =	simm.s32 $0x1BFF;
	s21 =	sshll.u32 s6, $0x1;
	s3 =	sadd.s32 s4, s19  }
0x9c: {  	s7 =	simm.s32 $0x0;
	s20 =	sshll.u32 s5, $0x1;
	s5 =	sadd.s32 s21, s3  }
0x9d: {  	[timem:s7], [sflag:s22] =	dma.local [hbm:s5], s20  }
0x9e: {  	_ =	swait.ge [sflag:s22], s20  }
0x9f: {  	s4 =	ssub.s32 $0x0, s20;
	[sflag:s22] =	ssyncset.done $0x0  }
0xa0: {  	[sflag:s22] =	ssyncadd.s32 s4;
	_ =	sdelay $0x1  }
0xa1: {  	s23 =	simm.s32 $0x1B8B  }
0xa2: {  	_ =	swait.ge [sflag:s23], $0x1  }
0xa3: {  	[sflag:s23] =	ssyncset.done $0x0  }
0xa4: {  	s25 =	simm.s32 $0x1B8E;
	s24 =	sld [smem:$0x3FFE];
	[sflag:s23] =	ssyncadd.s32 $0xFFFFFFFF  }
0xa5: {  	s26 =	simm.s32 $execute0_lowered;
	[smem:$0x3FD2] =	sst s25  }
0xa6: {  	s5 =	sshll.u32 s26, $0x1;
	_ =	strace $0x80000046;
	[dreg:$0x1] =	wrdreg $0xFFFFFFFF  }
0xa7: {  	s28 =	simm.s32 $_size_execute0_lowered;
	s3 =	sadd.s32 s3, s5;
	[dreg:$0x0] =	wrdreg $0x0  }
0xa8: {  	s5 =	sshll.u32 s28, $0x1;
	[dreg:$0x2] =	wrdreg s3  }
0xa9: {  	[dreg:$0x3] =	wrdreg s5  }
0xaa: {  	[dreg:$0x4] =	wrdreg $0xC0  }
0xab: {  	_ =	task [dreg:s7], $0x5FFFF  }
0xac: {  	[dreg:$0x1] =	wrdreg $0xFFFFFFFF  }
0xad: {  	[dreg:$0x0] =	wrdreg $0x60  }
0xae: {  	[dreg:$0x2] =	wrdreg s24  }
0xaf: {  	[dreg:$0x3] =	wrdreg s2  }
0xb0: {  	[dreg:$0x4] =	wrdreg $0x9  }
0xb1: {  	_ =	task.clear_ibuf [dreg:s7], $0x5FFFF;
	_ =	strace $0x90000046  }
0xb2: {  	s29 =	simm.s32 $0x9;
	_ =	strace $0x80000048  }
0xb3: {  	_ =	swait.ge [sflag:s29], $0x1  }
0xb4: {  	[sflag:s29] =	ssyncadd.s32 $0xFFFFFFFF  }
0xb5: {  	_ =	strace $0x90000048  }
0xb6: {  	_ =	sfence  }
0xb7: {  	s30 =	sld [smem:$0x0];
	_ =	sdelay $0x2  }
0xb8: {  	s31 =	sshll.u32 s1, $0xD;
	s1 =	sshrl.u32 s1, $0x2  }
0xb9: {  	s3 =	sand.u32 $0x4000, s31;
	s1 =	sadd.s32 s1, s30  }
0xba: {  	s0 =	sor.u32 s3, s0;
	s1 =	sshll.u32 s1, $0x11  }
0xbb: {  	s0 =	sor.u32 s1, s0  }
0xbc: {  	s0 =	sadd.s32 $0x8F2B, s0  }
0xbd: {  	[sflag:s0] =	ssyncadd.remote.s32 $0x1  }
0xbe: {  	_ =	sfence.sel $0xFFFF  }
0xbf: {  	[dreg:$0x0] =	wrdreg $0xFFFFFFFF;
	(pc) =	sbr.abs _section_cstart, $3  }
0xc0: {  	[dreg:$0x1] =	wrdreg $0xFFFFFFFF  }
0xc1: {  	_ =	task.clear_ibuf [dreg:s7], $0x2FFFF;
	_ =	strace $0x9FFFFFFF  }
0xc2: {  	(tm) =	ssettm $0x7FFFFFFF  }
0xc3: {  	_ =	shalt  }
tec
execute0_lowered:
.L_overlay_start_1:
0x0: {  	(tag) =	ssettag $0x1  }
0x1: {  	s1 =	stileid.u32  }
0x2: {  	p0 =	sgt.u32 s1, $0x7  }
.Ltmp0:
0x3: {  	_ = 	snop;
	(pc) =	sbr.rel @p0 .LBB2_3-.Ltmp0, $4  }
0x4: {  	s3 =	rddreg [dreg:$0x0]  }
0x5: {  	s4 =	rddreg [dreg:$0x1];
	s2 =	simm.s32 $0x0  }
0x6: {  	[smem:$0x7FF] =	sst s2  }
0x7: {  	s0 =	rddreg [dreg:$0x2];
	_ =	strace $0x80000047  }
0x8: {  	s5 =	srdreg.scid  }
0x9: {  	s6 =	sshll.u32 s1, $0x8;
	s7 =	sshrl.u32 s1, $0x2;
	s3 =	sadd.s32 $0x1000, s3  }
0xa: {  	s13 =	simm.s32 $0x200;
	s14 =	simm.s32 $0x80;
	s15 =	simm.s32 $0x280  }
0xb: {  	s16 =	simm.s32 $0x100;
	s17 =	simm.s32 $0x300;
	s18 =	simm.s32 $0x180  }
0xc: {  	s19 =	simm.s32 $0x380;
	s20 =	simm.s32 $0x1;
	s5 =	sand.u32 $0x1, s5  }
0xd: {  	s21 =	simm.s32 $0x400;
	s6 =	sand.u32 $0x300, s6;
	s8 =	sshll.u32 s5, $0x7  }
0xe: {  	s22 =	simm.s32 $0x2;
	s29 =	sshll.u32 s7, $0xB;
	s6 =	sor.u32 s8, s6  }
0xf: {  	s7 =	sshll.u32 s7, $0xA;
	s31 =	ssub.s32 $0x2, s5;
	s8 =	sor.u32 s29, s6  }
0x10: {  	s9 =	sshrl.u32 s31, $0x1;
	s6 =	sor.u32 s7, s6;
	s30 =	sshrl.u32 s8, $0x3  }
0x11: {  	s6 =	sshrl.u32 s6, $0x3;
	s8 =	ssub.s32 s31, s9;
	s3 =	sadd.s32 s3, s30  }
0x12: {  	s4 =	sadd.s32 s4, s6;
	s8 =	smax.u32 s8, $0x1;
	s5 =	sadd.s32 $0x600, s3  }
0x13: {  	s6 =	sadd.s32 $0x400, s3;
	s7 =	sadd.s32 $0x200, s3;
	s9 =	sadd.s32 $0x80, s3  }
0x14: {  	s10 =	sadd.s32 $0x280, s3;
	s11 =	sadd.s32 $0x480, s3;
	s12 =	sadd.s32 $0x680, s3  }
.LBB2_2:
0x15: {  	[tilespmem:s2], [sflag:$0x1] =	stream.linear.gather [hbm4b:s3+s2], $0x80, $0x38;
	[tilespmem:$0x480] =	vst v63  }
0x16: {  	_ = 	snop  }
0x17: {  	[tilespmem:s13], [sflag:$0x1] =	stream.linear.gather [hbm4b:s9+s2], $0x80, $0x38;
	[tilespmem:$0x480] =	vst v63  }
0x18: {  	_ = 	snop  }
0x19: {  	[tilespmem:s14], [sflag:$0x1] =	stream.linear.gather [hbm4b:s7+s2], $0x80, $0x38;
	[tilespmem:$0x480] =	vst v63  }
0x1a: {  	_ = 	snop  }
0x1b: {  	[tilespmem:s15], [sflag:$0x1] =	stream.linear.gather [hbm4b:s10+s2], $0x80, $0x38;
	[tilespmem:$0x480] =	vst v63  }
0x1c: {  	_ = 	snop  }
0x1d: {  	[tilespmem:s16], [sflag:$0x1] =	stream.linear.gather [hbm4b:s6+s2], $0x80, $0x38;
	[tilespmem:$0x480] =	vst v63  }
0x1e: {  	_ = 	snop  }
0x1f: {  	[tilespmem:s17], [sflag:$0x1] =	stream.linear.gather [hbm4b:s11+s2], $0x80, $0x38;
	[tilespmem:$0x480] =	vst v63  }
0x20: {  	_ = 	snop  }
0x21: {  	[tilespmem:s18], [sflag:$0x1] =	stream.linear.gather [hbm4b:s5+s2], $0x80, $0x38;
	[tilespmem:$0x480] =	vst v63  }
0x22: {  	_ = 	snop  }
0x23: {  	[tilespmem:s19], [sflag:$0x1] =	stream.linear.gather [hbm4b:s12+s2], $0x80, $0x38;
	[tilespmem:$0x480] =	vst v63  }
0x24: {  	_ =	swait.ge [sflag:s20], $0x100  }
0x25: {  	[sflag:s20] =	ssyncset.done $0x0  }
0x26: {  	[sflag:s20] =	ssyncadd.s32 $0xFFFFFF00  }
0x27: {  	_ =	swait.ge [sflag:s20], $0x100  }
0x28: {  	[sflag:s20] =	ssyncset.done $0x0  }
0x29: {  	[sflag:s20] =	ssyncadd.s32 $0xFFFFFF00  }
0x2a: {  	_ =	swait.ge [sflag:s20], $0x100  }
0x2b: {  	[sflag:s20] =	ssyncset.done $0x0  }
0x2c: {  	[sflag:s20] =	ssyncadd.s32 $0xFFFFFF00  }
0x2d: {  	_ =	swait.ge [sflag:s20], $0x100  }
0x2e: {  	[sflag:s20] =	ssyncset.done $0x0  }
0x2f: {  	[sflag:s20] =	ssyncadd.s32 $0xFFFFFF00  }
0x30: {  	v0 =	vld [tilespmem:$0x200]  }
0x31: {  	v1 =	vld [tilespmem:$0x280]  }
0x32: {  	v2 =	vld [tilespmem:$0x300]  }
0x33: {  	v3 =	vld [tilespmem:$0x380]  }
0x34: {  	v4 =	vld [tilespmem:$0x0]  }
0x35: {  	v5 =	vld [tilespmem:$0x80]  }
0x36: {  	v6 =	vld [tilespmem:$0x100]  }
0x37: {  	v7 =	vld [tilespmem:$0x180]  }
0x38: {  	v8 =	vld [tilespmem:$0x10]  }
0x39: {  	v9 =	vld [tilespmem:$0x90]  }
0x3a: {  	v10 =	vld [tilespmem:$0x110]  }
0x3b: {  	v11 =	vld [tilespmem:$0x190]  }
0x3c: {  	v12 =	vld [tilespmem:$0x20]  }
0x3d: {  	v13 =	vld [tilespmem:$0xA0]  }
0x3e: {  	v14 =	vld [tilespmem:$0x120]  }
0x3f: {  	v15 =	vld [tilespmem:$0x1A0]  }
0x40: {  	v16 =	vld [tilespmem:$0x30]  }
0x41: {  	v17 =	vld [tilespmem:$0xB0]  }
0x42: {  	v38 =	vld [tilespmem:$0x130];
	v0 =	vadd.f32 v1, v0  }
0x43: {  	v18 =	vld [tilespmem:$0x1B0]  }
0x44: {  	v39 =	vld [tilespmem:$0x40];
	v0 =	vadd.f32 v2, v0  }
0x45: {  	v19 =	vld [tilespmem:$0xC0]  }
0x46: {  	v21 =	vld [tilespmem:$0x50];
	v0 =	vadd.f32 v3, v0  }
0x47: {  	v22 =	vld [tilespmem:$0xD0]  }
0x48: {  	v42 =	vld [tilespmem:$0x60];
	(erf) = vrcp.f32 v0  }
0x49: {  	v44 =	vld [tilespmem:$0xE0]  }
0x4a: {  	v40 =	vld [tilespmem:$0x140]  }
0x4b: {  	v20 =	vld [tilespmem:$0x1C0]  }
0x4c: {  	v23 =	vld [tilespmem:$0x150];
	v4 =	vadd.f32 v5, v4;
	v8 =	vadd.f32 v9, v8  }
0x4d: {  	v41 =	vld [tilespmem:$0x1D0];
	v43 =	vadd.f32 v13, v12;
	v45 =	vadd.f32 v17, v16  }
0x4e: {  	v46 =	vld [tilespmem:$0x70];
	v52 =	vadd.f32 v22, v21;
	v55 =	vadd.f32 v44, v42  }
0x4f: {  	v47 =	vld [tilespmem:$0xF0];
	v4 =	vadd.f32 v6, v4;
	v8 =	vadd.f32 v10, v8  }
0x50: {  	v48 =	vld [tilespmem:$0x160];
	v6 =	vadd.f32 v14, v43;
	v1 =	vadd.f32 v38, v45  }
0x51: {  	v51 =	vld [tilespmem:$0x170];
	v2 =	vadd.f32 v19, v39;
	v4 =	vadd.f32 v7, v4;
	vm0 =	vgt.f32 v0, $0.0e+00;
	v50 =	vpop (erf)  }
0x52: {  	v53 =	vld [tilespmem:$0x1E0];
	v8 =	vadd.f32 v11, v8;
	v49 =	vadd.f32 v15, v6;
	v6 =	vnsel vm0, $0x0, v50  }
0x53: {  	v56 =	vld [tilespmem:$0x1F0];
	v57 =	vadd.f32 v23, v52;
	v2 =	vadd.f32 v40, v2;
	v54 =	vmul.f32 v4, v6  }
0x54: {  	v1 =	vadd.f32 v18, v1;
	v7 =	vadd.f32 v47, v46;
	v8 =	vmul.f32 v8, v6  }
0x55: {  	v58 =	vadd.f32 v48, v55;
	v2 =	vadd.f32 v20, v2;
	v0 =	vmul.f32 v49, v6;
	[tilespmem:$0x400] =	vst v54  }
0x56: {  	v59 =	vadd.f32 v41, v57;
	v60 =	vadd.f32 v51, v7;
	v1 =	vmul.f32 v1, v6;
	[tilespmem:$0x410] =	vst v8  }
0x57: {  	v61 =	vadd.f32 v53, v58;
	v2 =	vmul.f32 v2, v6;
	[tilespmem:$0x420] =	vst v0  }
0x58: {  	v62 =	vadd.f32 v56, v60;
	v63 =	vmul.f32 v59, v6;
	[tilespmem:$0x430] =	vst v1  }
0x59: {  	[tilespmem:$0x440] =	vst v2;
	v0 =	vmul.f32 v61, v6  }
0x5a: {  	[tilespmem:$0x450] =	vst v63;
	v1 =	vmul.f32 v62, v6  }
0x5b: {  	p0 =	sne.s32 s8, $0x1;
	[tilespmem:$0x460] =	vst v0  }
.Ltmp1:
0x5c: {  	[tilespmem:$0x470] =	vst v1;
	(pc) =	sbr.rel @p0 .LBB2_2-.Ltmp1, $4  }
0x5d: {  	[hbm4b:s4+s2] =	stream.linear.scatter [tilespmem:s21], [sflag:$0x2], $0x80, $0x38;
	[tilespmem:$0x480] =	vst v63  }
0x5e: {  	_ =	swait.ge [sflag:s22], $0x80  }
0x5f: {  	[sflag:s22] =	ssyncset.done $0x0  }
0x60: {  	s8 =	sadd.s32 $0xFFFFFFFF, s8;
	[sflag:s22] =	ssyncadd.s32 $0xFFFFFF80  }
.LBB2_3:
0x61: {  	_ =	sfence.sel $0x180000  }
0x62: {  	[bflag:$0x0] =	sbarrier.arrive $0xFFFF  }
0x63: {  	p0 =	sne.s32 s1, $0x0;
	_ =	strace $0x90000047  }
0x64: {  	s0 =	sadd.s32 @!p0 $0x100000, s0;
	[bflag:$0x2] =	sbarrier.arrive $0xFFFF  }
0x65: {  	[sflag:s0] =	ssyncadd.tile.s32 @!p0 $0x1;
	_ =	shalt  }
.Lfunc_end2:
_tile_overlayer_lowered:
.L_overlay_start_2:
0x66: {  	(tag) =	ssettag $0x2  }
0x67: {  	s0 =	rddreg [dreg:$0x0];
	s2 =	stileid.u32  }
0x68: {  	s1 =	rddreg [dreg:$0x1];
	p0 =	sne.s32 s2, $0x0  }
0x69: {  	s3 =	rddreg [dreg:$0x2];
	[bflag:$0x3] =	sbarrier.arrive $0xFFFF;
	s2 =	simm.s32 @!p0 $0x1C02  }
0x6a: {  	[timem:s3], [sflag:s2] =	dma.local @!p0 [hbm:s0], s1  }
0x6b: {  	s0 =	simm.s32 @!p0 $0x2  }
0x6c: {  	_ =	swait.ge @!p0 [sflag:s0], s1  }
0x6d: {  	s1 =	ssub.s32 @!p0 $0x0, s1;
	[sflag:s0] =	ssyncset.done @!p0 $0x0  }
0x6e: {  	[sflag:s0] =	ssyncadd.s32 @!p0 s1  }
0x6f: {  	[bflag:$0x3] =	sbarrier.arrive $0xFFFF  }
0x70: {  	_ =	shalt  }

</sc_bundles>
